<compile_context>
chip_gen: v7x
topology: tpu7x:2x2x1
jax: 0.10.2.dev20260603
libtpu: 0.0.44.dev20260713+nightly
codegen_flags: <defaults>
</compile_context>

<pallas_src>
import functools

import jax
import jax.numpy as jnp
from jax import lax
from jax.experimental import pallas as pl
from jax.experimental.pallas import tpu as pltpu
from jax.experimental.pallas import tpu_sc as plsc

DIM = 128
NC = 2
NS = 16
NW = NC * NS
GCH = 128
GPS = 2
SCH = GCH * GPS
NBUF = 2


@functools.partial(jax.jit, static_argnames=("total",))
def _embed_gather(idx3, table, total):
    b_per_w = total // NW
    n_s = b_per_w // SCH
    mesh = plsc.VectorSubcoreMesh(core_axis_name="c", subcore_axis_name="s")

    @functools.partial(
        pl.kernel,
        mesh=mesh,
        out_type=jax.ShapeDtypeStruct((total, DIM), jnp.float32),
        scratch_types=[
            pltpu.VMEM((b_per_w // GCH, GCH), jnp.int32),
            pltpu.VMEM((NBUF, SCH, DIM), jnp.float32),
            pltpu.SemaphoreType.DMA((NBUF,)),
            pltpu.SemaphoreType.DMA((NBUF,)),
        ],
    )
    def k(idx_hbm, table_hbm, out_hbm, idx_v, rows_v, gsem, ssem):
        wid = lax.axis_index("s") * NC + lax.axis_index("c")
        base = wid * b_per_w

        pltpu.sync_copy(idx_hbm.at[wid], idx_v)

        def fire(s, b):
            for j in range(GPS):
                pltpu.async_copy(
                    table_hbm.at[idx_v.at[s * GPS + j]],
                    rows_v.at[b, pl.ds(j * GCH, GCH)],
                    gsem.at[b],
                )

        def wait_gather(s, b):
            for j in range(GPS):
                pltpu.make_async_copy(
                    table_hbm.at[idx_v.at[s * GPS + j]],
                    rows_v.at[b, pl.ds(j * GCH, GCH)],
                    gsem.at[b],
                ).wait()

        def scatter(s, b):
            dst = out_hbm.at[pl.ds(base + s * SCH, SCH)]
            pltpu.async_copy(rows_v.at[b], dst, ssem.at[b])

        def wait_scatter(s, b):
            dst = out_hbm.at[pl.ds(base + s * SCH, SCH)]
            pltpu.make_async_copy(rows_v.at[b], dst, ssem.at[b]).wait()

        fire(0, 0)
        wait_gather(0, 0)

        def outer(t, _):
            s0 = t * NBUF
            for j in range(NBUF):
                s = s0 + j

                @pl.when(s >= NBUF)
                def _():
                    wait_scatter(s - NBUF, j)

                scatter(s, j)

            return ()

        lax.fori_loop(0, n_s // NBUF, outer, ())

        for i in range(NBUF):
            s = n_s - NBUF + i
            wait_scatter(s, s % NBUF)

    return k(idx3, table)


def kernel(x, table):
    b, h = x.shape
    total = b * h
    idx3 = x.reshape(NW, total // NW // GCH, GCH).astype(jnp.int32)
    out = _embed_gather(idx3, table, total)
    return out.reshape(b, h, DIM)

# --- scband reference (transcript-rebuilt; emitter-appended) ---
"""Pipeline reference for scband-token-embedder-37787122270631 (READ-ONLY COPY).

The authoritative reference and input builder live on the scoring server;
editing this copy changes nothing except your own understanding.
"""

import jax, jax.numpy as jnp
import numpy as np

NUM_EMBEDDINGS = 100000
EMBEDDING_DIM = 128
BATCH = 4096
HIST_LEN = 200


def setup_inputs(seed: int = 0) -> dict:
    key = jax.random.key(seed)
    x = jax.random.randint(jax.random.fold_in(key, 0), (BATCH, HIST_LEN), 0, NUM_EMBEDDINGS, dtype=jnp.int64 if jax.config.jax_enable_x64 else jnp.int32)
    table = jax.random.normal(jax.random.fold_in(key, 1), (NUM_EMBEDDINGS, EMBEDDING_DIM), dtype=jnp.float32)
    return {"x": x, "table": table}


def reference(x, table):
    # nn.Embedding forward: row gather from the embedding table
    return jnp.take(table, x, axis=0)

if __name__ == "__main__":
    import jax
    _d = setup_inputs()
    print(jax.jit(kernel)(*tuple(_d.values())))

</pallas_src>

<mosaic_0001>
#map = affine_map<(d0, d1) -> (0, 0, 0)>
#map1 = affine_map<(d0, d1) -> (0, 0)>
module attributes {stable_mosaic.version = 14 : i64} {
  func.func @k(%arg0: i32, %arg1: i32, %arg2: memref<32x200x128xi32, #tpu.memory_space<hbm>>, %arg3: memref<100000x128xf32, #tpu.memory_space<hbm>>, %arg4: memref<819200x128xf32, #tpu.memory_space<hbm>>, %arg5: memref<200x128xi32, #tpu.memory_space<vmem>>, %arg6: memref<2x256x128xf32, #tpu.memory_space<vmem>>, %arg7: memref<2x!tpu.dma_semaphore, #tpu.memory_space<semaphore_mem>>, %arg8: memref<2x!tpu.dma_semaphore, #tpu.memory_space<semaphore_mem>>) attributes {dimension_semantics = [#tpu.dimension_semantics<core_parallel>, #tpu.dimension_semantics<subcore_parallel>], iteration_bounds = array<i64: 2, 16>, scalar_prefetch = 0 : i64, scratch_operands = 4 : i64, tpu.core_type = #tpu.core_type<sc_vector_subcore>, window_params = [{transform_indices = #map}, {transform_indices = #map1}, {transform_indices = #map1}]} {
    %mul3A = arith.constant 2 : i32
    %mul3A_0 = arith.muli %arg1, %mul3A : i32
    %add3A = arith.addi %mul3A_0, %arg0 : i32
    %mul3A_1 = arith.constant 25600 : i32
    %mul3A_2 = arith.muli %add3A, %mul3A_1 : i32
    "tpu.region"() ({
      %run_scoped3A = tpu.sem_alloc : memref<!tpu.dma_semaphore, #tpu.memory_space<semaphore_mem>>
      %dma_start3A_101 = arith.constant 0 : i32
      %dma_start3A_102 = arith.constant 0 : i32
      %dma_start3A_103 = tpu.memref_slice %arg2[%add3A, %dma_start3A_101, %dma_start3A_102] : memref<32x200x128xi32, #tpu.memory_space<hbm>> -> memref<1x200x128xi32, #tpu.memory_space<hbm>>
      %dma_start3A_104 = tpu.memref_squeeze %dma_start3A_103 : memref<1x200x128xi32, #tpu.memory_space<hbm>> -> memref<200x128xi32, #tpu.memory_space<hbm>>
      %dma_start3A_105 = arith.constant 0 : i32
      %dma_start3A_106 = arith.constant 0 : i32
      %dma_start3A_107 = tpu.memref_slice %arg2[%add3A, %dma_start3A_105, %dma_start3A_106] : memref<32x200x128xi32, #tpu.memory_space<hbm>> -> memref<1x200x128xi32, #tpu.memory_space<hbm>>
      %dma_start3A_108 = tpu.memref_squeeze %dma_start3A_107 : memref<1x200x128xi32, #tpu.memory_space<hbm>> -> memref<200x128xi32, #tpu.memory_space<hbm>>
      tpu.enqueue_dma source(%dma_start3A_108 : memref<200x128xi32, #tpu.memory_space<hbm>>) target(%arg5 : memref<200x128xi32, #tpu.memory_space<vmem>>) target_semaphore(%run_scoped3A : memref<!tpu.dma_semaphore, #tpu.memory_space<semaphore_mem>>)
      %dma_wait3A_109 = arith.constant 0 : i32
      %dma_wait3A_110 = arith.constant 0 : i32
      %dma_wait3A_111 = tpu.memref_slice %arg2[%add3A, %dma_wait3A_109, %dma_wait3A_110] : memref<32x200x128xi32, #tpu.memory_space<hbm>> -> memref<1x200x128xi32, #tpu.memory_space<hbm>>
      %dma_wait3A_112 = tpu.memref_squeeze %dma_wait3A_111 : memref<1x200x128xi32, #tpu.memory_space<hbm>> -> memref<200x128xi32, #tpu.memory_space<hbm>>
      %dma_wait3A_113 = arith.constant 0 : i32
      %dma_wait3A_114 = arith.constant 0 : i32
      %dma_wait3A_115 = tpu.memref_slice %arg2[%add3A, %dma_wait3A_113, %dma_wait3A_114] : memref<32x200x128xi32, #tpu.memory_space<hbm>> -> memref<1x200x128xi32, #tpu.memory_space<hbm>>
      %dma_wait3A_116 = tpu.memref_squeeze %dma_wait3A_115 : memref<1x200x128xi32, #tpu.memory_space<hbm>> -> memref<200x128xi32, #tpu.memory_space<hbm>>
      tpu.wait_dma2 semaphore(%run_scoped3A : memref<!tpu.dma_semaphore, #tpu.memory_space<semaphore_mem>>) src(%dma_wait3A_116 : memref<200x128xi32, #tpu.memory_space<hbm>>) dst(%arg5 : memref<200x128xi32, #tpu.memory_space<vmem>>)
      tpu.yield
    }) : () -> ()
    %dma_start3A = arith.constant 0 : i32
    %dma_start3A_3 = arith.constant 0 : i32
    %dma_start3A_4 = arith.constant 0 : i32
    %dma_start3A_5 = arith.constant 0 : i32
    %dma_start3A_6 = arith.constant 0 : i32
    %dma_start3A_7 = tpu.memref_slice %arg6[%dma_start3A_3, %dma_start3A_5, %dma_start3A_6] : memref<2x256x128xf32, #tpu.memory_space<vmem>> -> memref<1x128x128xf32, #tpu.memory_space<vmem>>
    %dma_start3A_8 = tpu.memref_squeeze %dma_start3A_7 : memref<1x128x128xf32, #tpu.memory_space<vmem>> -> memref<128x128xf32, #tpu.memory_space<vmem>>
    %dma_start3A_9 = arith.constant 0 : i32
    %dma_start3A_10 = tpu.memref_slice %arg5[%dma_start3A, %dma_start3A_9] : memref<200x128xi32, #tpu.memory_space<vmem>> -> memref<1x128xi32, #tpu.memory_space<vmem>>
    %dma_start3A_11 = tpu.memref_squeeze %dma_start3A_10 : memref<1x128xi32, #tpu.memory_space<vmem>> -> memref<128xi32, #tpu.memory_space<vmem>>
    %dma_start3A_12 = arith.constant 0 : i32
    %dma_start3A_13 = arith.constant 0 : i32
    %dma_start3A_14 = tpu.memref_slice %arg3[%dma_start3A_12, %dma_start3A_13] : memref<100000x128xf32, #tpu.memory_space<hbm>> -> memref<100000x128xf32, #tpu.memory_space<hbm>>
    %dma_start3A_15 = tpu.memref_slice %arg7[%dma_start3A_4] : memref<2x!tpu.dma_semaphore, #tpu.memory_space<semaphore_mem>> -> memref<1x!tpu.dma_semaphore, #tpu.memory_space<semaphore_mem>>
    %dma_start3A_16 = tpu.memref_squeeze %dma_start3A_15 : memref<1x!tpu.dma_semaphore, #tpu.memory_space<semaphore_mem>> -> memref<!tpu.dma_semaphore, #tpu.memory_space<semaphore_mem>>
    tpu.enqueue_indirect_dma source(%dma_start3A_14 : memref<100000x128xf32, #tpu.memory_space<hbm>>) target(%dma_start3A_8 : memref<128x128xf32, #tpu.memory_space<vmem>>) offsets(%dma_start3A_11 : memref<128xi32, #tpu.memory_space<vmem>>) semaphore(%dma_start3A_16 : memref<!tpu.dma_semaphore, #tpu.memory_space<semaphore_mem>>)
    %dma_start3A_17 = arith.constant 1 : i32
    %dma_start3A_18 = arith.constant 0 : i32
    %dma_start3A_19 = arith.constant 0 : i32
    %dma_start3A_20 = arith.constant 128 : i32
    %dma_start3A_21 = arith.constant 0 : i32
    %dma_start3A_22 = tpu.memref_slice %arg6[%dma_start3A_18, %dma_start3A_20, %dma_start3A_21] : memref<2x256x128xf32, #tpu.memory_space<vmem>> -> memref<1x128x128xf32, #tpu.memory_space<vmem>>
    %dma_start3A_23 = tpu.memref_squeeze %dma_start3A_22 : memref<1x128x128xf32, #tpu.memory_space<vmem>> -> memref<128x128xf32, #tpu.memory_space<vmem>>
    %dma_start3A_24 = arith.constant 0 : i32
    %dma_start3A_25 = tpu.memref_slice %arg5[%dma_start3A_17, %dma_start3A_24] : memref<200x128xi32, #tpu.memory_space<vmem>> -> memref<1x128xi32, #tpu.memory_space<vmem>>
    %dma_start3A_26 = tpu.memref_squeeze %dma_start3A_25 : memref<1x128xi32, #tpu.memory_space<vmem>> -> memref<128xi32, #tpu.memory_space<vmem>>
    %dma_start3A_27 = arith.constant 0 : i32
    %dma_start3A_28 = arith.constant 0 : i32
    %dma_start3A_29 = tpu.memref_slice %arg3[%dma_start3A_27, %dma_start3A_28] : memref<100000x128xf32, #tpu.memory_space<hbm>> -> memref<100000x128xf32, #tpu.memory_space<hbm>>
    %dma_start3A_30 = tpu.memref_slice %arg7[%dma_start3A_19] : memref<2x!tpu.dma_semaphore, #tpu.memory_space<semaphore_mem>> -> memref<1x!tpu.dma_semaphore, #tpu.memory_space<semaphore_mem>>
    %dma_start3A_31 = tpu.memref_squeeze %dma_start3A_30 : memref<1x!tpu.dma_semaphore, #tpu.memory_space<semaphore_mem>> -> memref<!tpu.dma_semaphore, #tpu.memory_space<semaphore_mem>>
    tpu.enqueue_indirect_dma source(%dma_start3A_29 : memref<100000x128xf32, #tpu.memory_space<hbm>>) target(%dma_start3A_23 : memref<128x128xf32, #tpu.memory_space<vmem>>) offsets(%dma_start3A_26 : memref<128xi32, #tpu.memory_space<vmem>>) semaphore(%dma_start3A_31 : memref<!tpu.dma_semaphore, #tpu.memory_space<semaphore_mem>>)
    %dma_wait3A = arith.constant 0 : i32
    %dma_wait3A_32 = arith.constant 0 : i32
    %dma_wait3A_33 = arith.constant 0 : i32
    %dma_wait3A_34 = arith.constant 0 : i32
    %dma_wait3A_35 = arith.constant 0 : i32
    %dma_wait3A_36 = tpu.memref_slice %arg6[%dma_wait3A_32, %dma_wait3A_34, %dma_wait3A_35] : memref<2x256x128xf32, #tpu.memory_space<vmem>> -> memref<1x128x128xf32, #tpu.memory_space<vmem>>
    %dma_wait3A_37 = tpu.memref_squeeze %dma_wait3A_36 : memref<1x128x128xf32, #tpu.memory_space<vmem>> -> memref<128x128xf32, #tpu.memory_space<vmem>>
    %dma_wait3A_38 = arith.constant 0 : i32
    %dma_wait3A_39 = tpu.memref_slice %arg5[%dma_wait3A, %dma_wait3A_38] : memref<200x128xi32, #tpu.memory_space<vmem>> -> memref<1x128xi32, #tpu.memory_space<vmem>>
    %dma_wait3A_40 = tpu.memref_squeeze %dma_wait3A_39 : memref<1x128xi32, #tpu.memory_space<vmem>> -> memref<128xi32, #tpu.memory_space<vmem>>
    %dma_wait3A_41 = arith.constant 0 : i32
    %dma_wait3A_42 = arith.constant 0 : i32
    %dma_wait3A_43 = tpu.memref_slice %arg3[%dma_wait3A_41, %dma_wait3A_42] : memref<100000x128xf32, #tpu.memory_space<hbm>> -> memref<100000x128xf32, #tpu.memory_space<hbm>>
    %dma_wait3A_44 = tpu.memref_slice %arg7[%dma_wait3A_33] : memref<2x!tpu.dma_semaphore, #tpu.memory_space<semaphore_mem>> -> memref<1x!tpu.dma_semaphore, #tpu.memory_space<semaphore_mem>>
    %dma_wait3A_45 = tpu.memref_squeeze %dma_wait3A_44 : memref<1x!tpu.dma_semaphore, #tpu.memory_space<semaphore_mem>> -> memref<!tpu.dma_semaphore, #tpu.memory_space<semaphore_mem>>
    tpu.wait_indirect_dma semaphore(%dma_wait3A_45 : memref<!tpu.dma_semaphore, #tpu.memory_space<semaphore_mem>>) src(%dma_wait3A_43 : memref<100000x128xf32, #tpu.memory_space<hbm>>) dst(%dma_wait3A_37 : memref<128x128xf32, #tpu.memory_space<vmem>>)
    %dma_wait3A_46 = arith.constant 1 : i32
    %dma_wait3A_47 = arith.constant 0 : i32
    %dma_wait3A_48 = arith.constant 0 : i32
    %dma_wait3A_49 = arith.constant 128 : i32
    %dma_wait3A_50 = arith.constant 0 : i32
    %dma_wait3A_51 = tpu.memref_slice %arg6[%dma_wait3A_47, %dma_wait3A_49, %dma_wait3A_50] : memref<2x256x128xf32, #tpu.memory_space<vmem>> -> memref<1x128x128xf32, #tpu.memory_space<vmem>>
    %dma_wait3A_52 = tpu.memref_squeeze %dma_wait3A_51 : memref<1x128x128xf32, #tpu.memory_space<vmem>> -> memref<128x128xf32, #tpu.memory_space<vmem>>
    %dma_wait3A_53 = arith.constant 0 : i32
    %dma_wait3A_54 = tpu.memref_slice %arg5[%dma_wait3A_46, %dma_wait3A_53] : memref<200x128xi32, #tpu.memory_space<vmem>> -> memref<1x128xi32, #tpu.memory_space<vmem>>
    %dma_wait3A_55 = tpu.memref_squeeze %dma_wait3A_54 : memref<1x128xi32, #tpu.memory_space<vmem>> -> memref<128xi32, #tpu.memory_space<vmem>>
    %dma_wait3A_56 = arith.constant 0 : i32
    %dma_wait3A_57 = arith.constant 0 : i32
    %dma_wait3A_58 = tpu.memref_slice %arg3[%dma_wait3A_56, %dma_wait3A_57] : memref<100000x128xf32, #tpu.memory_space<hbm>> -> memref<100000x128xf32, #tpu.memory_space<hbm>>
    %dma_wait3A_59 = tpu.memref_slice %arg7[%dma_wait3A_48] : memref<2x!tpu.dma_semaphore, #tpu.memory_space<semaphore_mem>> -> memref<1x!tpu.dma_semaphore, #tpu.memory_space<semaphore_mem>>
    %dma_wait3A_60 = tpu.memref_squeeze %dma_wait3A_59 : memref<1x!tpu.dma_semaphore, #tpu.memory_space<semaphore_mem>> -> memref<!tpu.dma_semaphore, #tpu.memory_space<semaphore_mem>>
    tpu.wait_indirect_dma semaphore(%dma_wait3A_60 : memref<!tpu.dma_semaphore, #tpu.memory_space<semaphore_mem>>) src(%dma_wait3A_58 : memref<100000x128xf32, #tpu.memory_space<hbm>>) dst(%dma_wait3A_52 : memref<128x128xf32, #tpu.memory_space<vmem>>)
    %scan3A = arith.constant 0 : i32
    %scan3A_61 = arith.constant 50 : i32
    %scan3A_62 = arith.addi %scan3A, %scan3A_61 : i32
    %scan3A_63 = arith.constant 1 : i32
    scf.for %scan3A_101 = %scan3A to %scan3A_62 step %scan3A_63  : i32 {
      %mul3A_102 = arith.constant 2 : i32
      %mul3A_103 = arith.muli %scan3A_101, %mul3A_102 : i32
      %add3A_104 = arith.constant 0 : i32
      %add3A_105 = arith.addi %mul3A_103, %add3A_104 : i32
      %ge3A = arith.constant 2 : i32
      %ge3A_106 = arith.cmpi sge, %add3A_105, %ge3A : i32
      %convert_element_type3A = arith.extui %ge3A_106 : i1 to i32
      %cond3A = arith.constant 0 : i32
      %cond3A_107 = arith.cmpi ne, %convert_element_type3A, %cond3A : i32
      scf.if %cond3A_107 {
        %sub3A = arith.constant 2 : i32
        %sub3A_153 = arith.subi %add3A_105, %sub3A : i32
        %mul3A_154 = arith.constant 256 : i32
        %mul3A_155 = arith.muli %sub3A_153, %mul3A_154 : i32
        %add3A_156 = arith.addi %mul3A_2, %mul3A_155 : i32
        %dma_wait3A_157 = arith.constant 0 : i32
        %dma_wait3A_158 = arith.constant 0 : i32
        %dma_wait3A_159 = arith.constant 0 : i32
        %dma_wait3A_160 = arith.constant 0 : i32
        %dma_wait3A_161 = tpu.memref_slice %arg6[%dma_wait3A_157, %dma_wait3A_159, %dma_wait3A_160] : memref<2x256x128xf32, #tpu.memory_space<vmem>> -> memref<1x256x128xf32, #tpu.memory_space<vmem>>
        %dma_wait3A_162 = tpu.memref_squeeze %dma_wait3A_161 : memref<1x256x128xf32, #tpu.memory_space<vmem>> -> memref<256x128xf32, #tpu.memory_space<vmem>>
        %dma_wait3A_163 = arith.constant 0 : i32
        %dma_wait3A_164 = tpu.memref_slice %arg4[%add3A_156, %dma_wait3A_163] : memref<819200x128xf32, #tpu.memory_space<hbm>> -> memref<256x128xf32, #tpu.memory_space<hbm>>
        %dma_wait3A_165 = tpu.memref_slice %arg8[%dma_wait3A_158] : memref<2x!tpu.dma_semaphore, #tpu.memory_space<semaphore_mem>> -> memref<1x!tpu.dma_semaphore, #tpu.memory_space<semaphore_mem>>
        %dma_wait3A_166 = tpu.memref_squeeze %dma_wait3A_165 : memref<1x!tpu.dma_semaphore, #tpu.memory_space<semaphore_mem>> -> memref<!tpu.dma_semaphore, #tpu.memory_space<semaphore_mem>>
        %dma_wait3A_167 = arith.constant 0 : i32
        %dma_wait3A_168 = tpu.memref_slice %arg4[%add3A_156, %dma_wait3A_167] : memref<819200x128xf32, #tpu.memory_space<hbm>> -> memref<256x128xf32, #tpu.memory_space<hbm>>
        %dma_wait3A_169 = arith.constant 0 : i32
        %dma_wait3A_170 = arith.constant 0 : i32
        %dma_wait3A_171 = tpu.memref_slice %arg6[%dma_wait3A_157, %dma_wait3A_169, %dma_wait3A_170] : memref<2x256x128xf32, #tpu.memory_space<vmem>> -> memref<1x256x128xf32, #tpu.memory_space<vmem>>
        %dma_wait3A_172 = tpu.memref_squeeze %dma_wait3A_171 : memref<1x256x128xf32, #tpu.memory_space<vmem>> -> memref<256x128xf32, #tpu.memory_space<vmem>>
        tpu.wait_dma2 semaphore(%dma_wait3A_166 : memref<!tpu.dma_semaphore, #tpu.memory_space<semaphore_mem>>) src(%dma_wait3A_172 : memref<256x128xf32, #tpu.memory_space<vmem>>) dst(%dma_wait3A_168 : memref<256x128xf32, #tpu.memory_space<hbm>>)
      } else {
      }
      %mul3A_108 = arith.constant 256 : i32
      %mul3A_109 = arith.muli %add3A_105, %mul3A_108 : i32
      %add3A_110 = arith.addi %mul3A_2, %mul3A_109 : i32
      %dma_start3A_111 = arith.constant 0 : i32
      %dma_start3A_112 = arith.constant 0 : i32
      %dma_start3A_113 = arith.constant 0 : i32
      %dma_start3A_114 = arith.constant 0 : i32
      %dma_start3A_115 = tpu.memref_slice %arg6[%dma_start3A_111, %dma_start3A_113, %dma_start3A_114] : memref<2x256x128xf32, #tpu.memory_space<vmem>> -> memref<1x256x128xf32, #tpu.memory_space<vmem>>
      %dma_start3A_116 = tpu.memref_squeeze %dma_start3A_115 : memref<1x256x128xf32, #tpu.memory_space<vmem>> -> memref<256x128xf32, #tpu.memory_space<vmem>>
      %dma_start3A_117 = arith.constant 0 : i32
      %dma_start3A_118 = tpu.memref_slice %arg4[%add3A_110, %dma_start3A_117] : memref<819200x128xf32, #tpu.memory_space<hbm>> -> memref<256x128xf32, #tpu.memory_space<hbm>>
      %dma_start3A_119 = tpu.memref_slice %arg8[%dma_start3A_112] : memref<2x!tpu.dma_semaphore, #tpu.memory_space<semaphore_mem>> -> memref<1x!tpu.dma_semaphore, #tpu.memory_space<semaphore_mem>>
      %dma_start3A_120 = tpu.memref_squeeze %dma_start3A_119 : memref<1x!tpu.dma_semaphore, #tpu.memory_space<semaphore_mem>> -> memref<!tpu.dma_semaphore, #tpu.memory_space<semaphore_mem>>
      %dma_start3A_121 = arith.constant 0 : i32
      %dma_start3A_122 = tpu.memref_slice %arg4[%add3A_110, %dma_start3A_121] : memref<819200x128xf32, #tpu.memory_space<hbm>> -> memref<256x128xf32, #tpu.memory_space<hbm>>
      %dma_start3A_123 = arith.constant 0 : i32
      %dma_start3A_124 = arith.constant 0 : i32
      %dma_start3A_125 = tpu.memref_slice %arg6[%dma_start3A_111, %dma_start3A_123, %dma_start3A_124] : memref<2x256x128xf32, #tpu.memory_space<vmem>> -> memref<1x256x128xf32, #tpu.memory_space<vmem>>
      %dma_start3A_126 = tpu.memref_squeeze %dma_start3A_125 : memref<1x256x128xf32, #tpu.memory_space<vmem>> -> memref<256x128xf32, #tpu.memory_space<vmem>>
      tpu.enqueue_dma source(%dma_start3A_126 : memref<256x128xf32, #tpu.memory_space<vmem>>) target(%dma_start3A_122 : memref<256x128xf32, #tpu.memory_space<hbm>>) target_semaphore(%dma_start3A_120 : memref<!tpu.dma_semaphore, #tpu.memory_space<semaphore_mem>>)
      %add3A_127 = arith.constant 1 : i32
      %add3A_128 = arith.addi %mul3A_103, %add3A_127 : i32
      %ge3A_129 = arith.constant 2 : i32
      %ge3A_130 = arith.cmpi sge, %add3A_128, %ge3A_129 : i32
      %convert_element_type3A_131 = arith.extui %ge3A_130 : i1 to i32
      %cond3A_132 = arith.constant 0 : i32
      %cond3A_133 = arith.cmpi ne, %convert_element_type3A_131, %cond3A_132 : i32
      scf.if %cond3A_133 {
        %sub3A = arith.constant 2 : i32
        %sub3A_153 = arith.subi %add3A_128, %sub3A : i32
        %mul3A_154 = arith.constant 256 : i32
        %mul3A_155 = arith.muli %sub3A_153, %mul3A_154 : i32
        %add3A_156 = arith.addi %mul3A_2, %mul3A_155 : i32
        %dma_wait3A_157 = arith.constant 1 : i32
        %dma_wait3A_158 = arith.constant 1 : i32
        %dma_wait3A_159 = arith.constant 0 : i32
        %dma_wait3A_160 = arith.constant 0 : i32
        %dma_wait3A_161 = tpu.memref_slice %arg6[%dma_wait3A_157, %dma_wait3A_159, %dma_wait3A_160] : memref<2x256x128xf32, #tpu.memory_space<vmem>> -> memref<1x256x128xf32, #tpu.memory_space<vmem>>
        %dma_wait3A_162 = tpu.memref_squeeze %dma_wait3A_161 : memref<1x256x128xf32, #tpu.memory_space<vmem>> -> memref<256x128xf32, #tpu.memory_space<vmem>>
        %dma_wait3A_163 = arith.constant 0 : i32
        %dma_wait3A_164 = tpu.memref_slice %arg4[%add3A_156, %dma_wait3A_163] : memref<819200x128xf32, #tpu.memory_space<hbm>> -> memref<256x128xf32, #tpu.memory_space<hbm>>
        %dma_wait3A_165 = tpu.memref_slice %arg8[%dma_wait3A_158] : memref<2x!tpu.dma_semaphore, #tpu.memory_space<semaphore_mem>> -> memref<1x!tpu.dma_semaphore, #tpu.memory_space<semaphore_mem>>
        %dma_wait3A_166 = tpu.memref_squeeze %dma_wait3A_165 : memref<1x!tpu.dma_semaphore, #tpu.memory_space<semaphore_mem>> -> memref<!tpu.dma_semaphore, #tpu.memory_space<semaphore_mem>>
        %dma_wait3A_167 = arith.constant 0 : i32
        %dma_wait3A_168 = tpu.memref_slice %arg4[%add3A_156, %dma_wait3A_167] : memref<819200x128xf32, #tpu.memory_space<hbm>> -> memref<256x128xf32, #tpu.memory_space<hbm>>
        %dma_wait3A_169 = arith.constant 0 : i32
        %dma_wait3A_170 = arith.constant 0 : i32
        %dma_wait3A_171 = tpu.memref_slice %arg6[%dma_wait3A_157, %dma_wait3A_169, %dma_wait3A_170] : memref<2x256x128xf32, #tpu.memory_space<vmem>> -> memref<1x256x128xf32, #tpu.memory_space<vmem>>
        %dma_wait3A_172 = tpu.memref_squeeze %dma_wait3A_171 : memref<1x256x128xf32, #tpu.memory_space<vmem>> -> memref<256x128xf32, #tpu.memory_space<vmem>>
        tpu.wait_dma2 semaphore(%dma_wait3A_166 : memref<!tpu.dma_semaphore, #tpu.memory_space<semaphore_mem>>) src(%dma_wait3A_172 : memref<256x128xf32, #tpu.memory_space<vmem>>) dst(%dma_wait3A_168 : memref<256x128xf32, #tpu.memory_space<hbm>>)
      } else {
      }
      %mul3A_134 = arith.constant 256 : i32
      %mul3A_135 = arith.muli %add3A_128, %mul3A_134 : i32
      %add3A_136 = arith.addi %mul3A_2, %mul3A_135 : i32
      %dma_start3A_137 = arith.constant 1 : i32
      %dma_start3A_138 = arith.constant 1 : i32
      %dma_start3A_139 = arith.constant 0 : i32
      %dma_start3A_140 = arith.constant 0 : i32
      %dma_start3A_141 = tpu.memref_slice %arg6[%dma_start3A_137, %dma_start3A_139, %dma_start3A_140] : memref<2x256x128xf32, #tpu.memory_space<vmem>> -> memref<1x256x128xf32, #tpu.memory_space<vmem>>
      %dma_start3A_142 = tpu.memref_squeeze %dma_start3A_141 : memref<1x256x128xf32, #tpu.memory_space<vmem>> -> memref<256x128xf32, #tpu.memory_space<vmem>>
      %dma_start3A_143 = arith.constant 0 : i32
      %dma_start3A_144 = tpu.memref_slice %arg4[%add3A_136, %dma_start3A_143] : memref<819200x128xf32, #tpu.memory_space<hbm>> -> memref<256x128xf32, #tpu.memory_space<hbm>>
      %dma_start3A_145 = tpu.memref_slice %arg8[%dma_start3A_138] : memref<2x!tpu.dma_semaphore, #tpu.memory_space<semaphore_mem>> -> memref<1x!tpu.dma_semaphore, #tpu.memory_space<semaphore_mem>>
      %dma_start3A_146 = tpu.memref_squeeze %dma_start3A_145 : memref<1x!tpu.dma_semaphore, #tpu.memory_space<semaphore_mem>> -> memref<!tpu.dma_semaphore, #tpu.memory_space<semaphore_mem>>
      %dma_start3A_147 = arith.constant 0 : i32
      %dma_start3A_148 = tpu.memref_slice %arg4[%add3A_136, %dma_start3A_147] : memref<819200x128xf32, #tpu.memory_space<hbm>> -> memref<256x128xf32, #tpu.memory_space<hbm>>
      %dma_start3A_149 = arith.constant 0 : i32
      %dma_start3A_150 = arith.constant 0 : i32
      %dma_start3A_151 = tpu.memref_slice %arg6[%dma_start3A_137, %dma_start3A_149, %dma_start3A_150] : memref<2x256x128xf32, #tpu.memory_space<vmem>> -> memref<1x256x128xf32, #tpu.memory_space<vmem>>
      %dma_start3A_152 = tpu.memref_squeeze %dma_start3A_151 : memref<1x256x128xf32, #tpu.memory_space<vmem>> -> memref<256x128xf32, #tpu.memory_space<vmem>>
      tpu.enqueue_dma source(%dma_start3A_152 : memref<256x128xf32, #tpu.memory_space<vmem>>) target(%dma_start3A_148 : memref<256x128xf32, #tpu.memory_space<hbm>>) target_semaphore(%dma_start3A_146 : memref<!tpu.dma_semaphore, #tpu.memory_space<semaphore_mem>>)
    }
    %scan3A_64 = arith.constant 50 : i32
    %add3A_65 = arith.constant 25088 : i32
    %add3A_66 = arith.addi %mul3A_2, %add3A_65 : i32
    %dma_wait3A_67 = arith.constant 0 : i32
    %dma_wait3A_68 = arith.constant 0 : i32
    %dma_wait3A_69 = arith.constant 0 : i32
    %dma_wait3A_70 = arith.constant 0 : i32
    %dma_wait3A_71 = tpu.memref_slice %arg6[%dma_wait3A_67, %dma_wait3A_69, %dma_wait3A_70] : memref<2x256x128xf32, #tpu.memory_space<vmem>> -> memref<1x256x128xf32, #tpu.memory_space<vmem>>
    %dma_wait3A_72 = tpu.memref_squeeze %dma_wait3A_71 : memref<1x256x128xf32, #tpu.memory_space<vmem>> -> memref<256x128xf32, #tpu.memory_space<vmem>>
    %dma_wait3A_73 = arith.constant 0 : i32
    %dma_wait3A_74 = tpu.memref_slice %arg4[%add3A_66, %dma_wait3A_73] : memref<819200x128xf32, #tpu.memory_space<hbm>> -> memref<256x128xf32, #tpu.memory_space<hbm>>
    %dma_wait3A_75 = tpu.memref_slice %arg8[%dma_wait3A_68] : memref<2x!tpu.dma_semaphore, #tpu.memory_space<semaphore_mem>> -> memref<1x!tpu.dma_semaphore, #tpu.memory_space<semaphore_mem>>
    %dma_wait3A_76 = tpu.memref_squeeze %dma_wait3A_75 : memref<1x!tpu.dma_semaphore, #tpu.memory_space<semaphore_mem>> -> memref<!tpu.dma_semaphore, #tpu.memory_space<semaphore_mem>>
    %dma_wait3A_77 = arith.constant 0 : i32
    %dma_wait3A_78 = tpu.memref_slice %arg4[%add3A_66, %dma_wait3A_77] : memref<819200x128xf32, #tpu.memory_space<hbm>> -> memref<256x128xf32, #tpu.memory_space<hbm>>
    %dma_wait3A_79 = arith.constant 0 : i32
    %dma_wait3A_80 = arith.constant 0 : i32
    %dma_wait3A_81 = tpu.memref_slice %arg6[%dma_wait3A_67, %dma_wait3A_79, %dma_wait3A_80] : memref<2x256x128xf32, #tpu.memory_space<vmem>> -> memref<1x256x128xf32, #tpu.memory_space<vmem>>
    %dma_wait3A_82 = tpu.memref_squeeze %dma_wait3A_81 : memref<1x256x128xf32, #tpu.memory_space<vmem>> -> memref<256x128xf32, #tpu.memory_space<vmem>>
    tpu.wait_dma2 semaphore(%dma_wait3A_76 : memref<!tpu.dma_semaphore, #tpu.memory_space<semaphore_mem>>) src(%dma_wait3A_82 : memref<256x128xf32, #tpu.memory_space<vmem>>) dst(%dma_wait3A_78 : memref<256x128xf32, #tpu.memory_space<hbm>>)
    %add3A_83 = arith.constant 25344 : i32
    %add3A_84 = arith.addi %mul3A_2, %add3A_83 : i32
    %dma_wait3A_85 = arith.constant 1 : i32
    %dma_wait3A_86 = arith.constant 1 : i32
    %dma_wait3A_87 = arith.constant 0 : i32
    %dma_wait3A_88 = arith.constant 0 : i32
    %dma_wait3A_89 = tpu.memref_slice %arg6[%dma_wait3A_85, %dma_wait3A_87, %dma_wait3A_88] : memref<2x256x128xf32, #tpu.memory_space<vmem>> -> memref<1x256x128xf32, #tpu.memory_space<vmem>>
    %dma_wait3A_90 = tpu.memref_squeeze %dma_wait3A_89 : memref<1x256x128xf32, #tpu.memory_space<vmem>> -> memref<256x128xf32, #tpu.memory_space<vmem>>
    %dma_wait3A_91 = arith.constant 0 : i32
    %dma_wait3A_92 = tpu.memref_slice %arg4[%add3A_84, %dma_wait3A_91] : memref<819200x128xf32, #tpu.memory_space<hbm>> -> memref<256x128xf32, #tpu.memory_space<hbm>>
    %dma_wait3A_93 = tpu.memref_slice %arg8[%dma_wait3A_86] : memref<2x!tpu.dma_semaphore, #tpu.memory_space<semaphore_mem>> -> memref<1x!tpu.dma_semaphore, #tpu.memory_space<semaphore_mem>>
    %dma_wait3A_94 = tpu.memref_squeeze %dma_wait3A_93 : memref<1x!tpu.dma_semaphore, #tpu.memory_space<semaphore_mem>> -> memref<!tpu.dma_semaphore, #tpu.memory_space<semaphore_mem>>
    %dma_wait3A_95 = arith.constant 0 : i32
    %dma_wait3A_96 = tpu.memref_slice %arg4[%add3A_84, %dma_wait3A_95] : memref<819200x128xf32, #tpu.memory_space<hbm>> -> memref<256x128xf32, #tpu.memory_space<hbm>>
    %dma_wait3A_97 = arith.constant 0 : i32
    %dma_wait3A_98 = arith.constant 0 : i32
    %dma_wait3A_99 = tpu.memref_slice %arg6[%dma_wait3A_85, %dma_wait3A_97, %dma_wait3A_98] : memref<2x256x128xf32, #tpu.memory_space<vmem>> -> memref<1x256x128xf32, #tpu.memory_space<vmem>>
    %dma_wait3A_100 = tpu.memref_squeeze %dma_wait3A_99 : memref<1x256x128xf32, #tpu.memory_space<vmem>> -> memref<256x128xf32, #tpu.memory_space<vmem>>
    tpu.wait_dma2 semaphore(%dma_wait3A_94 : memref<!tpu.dma_semaphore, #tpu.memory_space<semaphore_mem>>) src(%dma_wait3A_100 : memref<256x128xf32, #tpu.memory_space<vmem>>) dst(%dma_wait3A_96 : memref<256x128xf32, #tpu.memory_space<hbm>>)
    return
  }
}

</mosaic_0001>

<sc_bundles>
// kernel: _embed_gather.3.cloned.1.call-start
scs
__scs_entry_jumppad:
0x0: {  	(pc) =	sbr.rel $0x88, $3  }
0x1: {  	(tag) =	ssettag $0x0;
	lr =	simm.s32 $0x1  }
0x2: {  	[smem:$0x3F9F] =	sst lr;
	_ =	strace $0xD0000000  }
0x3: {  	_ = 	snop  }
0x4: {  	_ = 	snop  }
0x5: {  	_ = 	snop  }
0x6: {  	_ = 	snop  }
0x7: {  	_ = 	snop  }
__scs_overlays_trampoline_lowered:
0x8: {  	[smem:$0x3FAE] =	sst s0  }
0x9: {  	[smem:$0x3FAF] =	sst s1  }
0xa: {  	[smem:$0x3FB0] =	sst s2  }
0xb: {  	[smem:$0x3FB1] =	sst s3  }
0xc: {  	[smem:$0x3FB2] =	sst s4  }
0xd: {  	[smem:$0x3FB3] =	sst s5  }
0xe: {  	[smem:$0x3FB4] =	sst s6  }
0xf: {  	[smem:$0x3FB5] =	sst s7  }
0x10: {  	[smem:$0x3FB6] =	sst s8  }
0x11: {  	[smem:$0x3FB7] =	sst s9;
	s0 =	simm.s32 @!p0 $0x0  }
0x12: {  	s1 =	sld [smem:$0x3F9D];
	s0 =	simm.s32 @p0 $0x1  }
0x13: {  	[smem:$0x3FB8] =	sst s0;
	s0 =	simm.s32 @!p1 $0x0  }
0x14: {  	s2 =	sld [smem:$0x3F9C];
	s0 =	simm.s32 @p1 $0x1  }
0x15: {  	[smem:$0x3FB9] =	sst s0;
	s0 =	simm.s32 @!p2 $0x0  }
0x16: {  	s3 =	sld [smem:$0x3FDB];
	s0 =	simm.s32 @p2 $0x1  }
0x17: {  	s4 =	simm.s32 $0x1BF5;
	[smem:$0x3FBB] =	sst s0  }
0x18: {  	s0 =	sld [smem:$0x3F9E];
	_ =	swait.ge [sflag:s4], $0x0  }
0x19: {  	s7 =	sld [smem:$0x3F9F]  }
0x1a: {  	s8 =	sadd.s32 $0xFFFFE003, lr  }
0x1b: {  	s9 =	sadd.s32 $0xFFFFFEF7, lr;
	s5 =	simm.s32 $0xFFFFFFFF;
	p2 =	slt.u32 s8, $0xFFFFF086  }
0x1c: {  	p1 =	slt.u32 s9, $0xF7A;
	s5 =	simm.s32 @!p2 $0x0  }
0x1d: {  	s5 =	simm.s32 @p1 $0x1;
	p0 =	seq.s32 s7, s2  }
0x1e: {  	s7 =	smul.u32 @!p0 $0xF7A, s2;
	p2 =	seq.s32 @!p0 s5, $0x0  }
0x1f: {  	s9 =	smul.u32 $0xF7A, s1;
	s8 =	simm.s32 @!p0 $0x1BF5;
	p2 =	por !p2, p0  }
0x20: {  	[sflag:s8] =	ssyncset.s32 @!p0 $0xFFFFF086;
	s6 =	sadd.s32 @!p0 s3, s7;
	s7 =	simm.s32 @!p0 $0x108  }
0x21: {  	s3 =	sadd.s32 s3, s9;
	s6 =	sadd.s32 @!p0 $0x88, s6;
	s7 =	simm.s32 @p2 $0x1082  }
0x22: {  	[simem:s7], [sflag:s8] =	dma.local @!p0 [hbm:s6], $0xF7A  }
0x23: {  	s9 =	sor.u32 $0xD0000000, s2;
	s6 =	simm.s32 $0x108;
	_ =	swait.ge @!p0 [sflag:s8], $0x0  }
0x24: {  	s3 =	sadd.s32 $0x88, s3;
	s6 =	simm.s32 @!p1 $0x1082;
	[sflag:s4] =	ssyncset.s32 $0xFFFFF086  }
0x25: {  	[simem:s6], [sflag:s4] =	dma.local [hbm:s3], $0xF7A  }
0x26: {  	[smem:$0x3F9F] =	sst s1;
	(tag) =	ssettag s2;
	_ =	strace s9  }
0x27: {  	s1 =	sld [smem:$0x3FAF]  }
0x28: {  	s2 =	sld [smem:$0x3FB0]  }
0x29: {  	s4 =	sld [smem:$0x3FB2]  }
0x2a: {  	p0 =	seq.s32 s5, $0x0;
	s5 =	sld [smem:$0x3FB3]  }
0x2b: {  	s6 =	sld [smem:$0x3FB4]  }
0x2c: {  	s7 =	sld [smem:$0x3FB5]  }
0x2d: {  	s3 =	simm.s32 $0x108;
	s8 =	sld [smem:$0x3FB6]  }
0x2e: {  	s3 =	simm.s32 @!p0 $0x1082;
	s9 =	sld [smem:$0x3FB7]  }
0x2f: {  	lr =	sadd.s32 s0, s3;
	s0 =	sld [smem:$0x3FAE]  }
0x30: {  	s3 =	sld [smem:$0x3FB1]  }
0x31: {  	[smem:$0x3FBA] =	sst s10  }
0x32: {  	s10 =	sld [smem:$0x3FB8];
	_ =	sdelay $0x3  }
0x33: {  	p0 =	seq.s32 s10, $0x1;
	s10 =	sld [smem:$0x3FBA];
	_ =	sdelay $0x3  }
0x34: {  	[smem:$0x3FBA] =	sst s10  }
0x35: {  	s10 =	sld [smem:$0x3FB9];
	_ =	sdelay $0x3  }
0x36: {  	p1 =	seq.s32 s10, $0x1;
	s10 =	sld [smem:$0x3FBA];
	_ =	sdelay $0x3  }
0x37: {  	[smem:$0x3FBA] =	sst s10  }
0x38: {  	s10 =	sld [smem:$0x3FBB]  }
0x39: {  	_ = 	snop;
	(pc) =	sbr.ind lr, $3  }
0x3a: {  	_ = 	snop  }
0x3b: {  	_ = 	snop  }
0x3c: {  	p2 =	seq.s32 s10, $0x1;
	s10 =	sld [smem:$0x3FBA]  }
0x3d: {  	_ =	shalt  }
0x3e: {  	_ =	shalt  }
0x3f: {  	_ =	shalt  }
0x40: {  	_ =	shalt  }
0x41: {  	_ =	shalt  }
0x42: {  	_ =	shalt  }
0x43: {  	_ =	shalt  }
0x44: {  	_ =	shalt  }
0x45: {  	_ =	shalt  }
0x46: {  	_ =	shalt  }
0x47: {  	_ =	shalt  }
0x48: {  	_ =	shalt  }
0x49: {  	_ =	shalt  }
0x4a: {  	_ =	shalt  }
0x4b: {  	_ =	shalt  }
0x4c: {  	_ =	shalt  }
0x4d: {  	_ =	shalt  }
0x4e: {  	_ =	shalt  }
0x4f: {  	_ =	shalt  }
0x50: {  	_ =	shalt  }
0x51: {  	_ =	shalt  }
0x52: {  	_ =	shalt  }
0x53: {  	_ =	shalt  }
0x54: {  	_ =	shalt  }
0x55: {  	_ =	shalt  }
0x56: {  	_ =	shalt  }
0x57: {  	_ =	shalt  }
0x58: {  	_ =	shalt  }
0x59: {  	_ =	shalt  }
0x5a: {  	_ =	shalt  }
0x5b: {  	_ =	shalt  }
0x5c: {  	_ =	shalt  }
0x5d: {  	_ =	shalt  }
0x5e: {  	_ =	shalt  }
0x5f: {  	_ =	shalt  }
0x60: {  	_ =	shalt  }
0x61: {  	_ =	shalt  }
0x62: {  	_ =	shalt  }
0x63: {  	_ =	shalt  }
0x64: {  	_ =	shalt  }
0x65: {  	_ =	shalt  }
0x66: {  	_ =	shalt  }
0x67: {  	_ =	shalt  }
0x68: {  	_ =	shalt  }
0x69: {  	_ =	shalt  }
0x6a: {  	_ =	shalt  }
0x6b: {  	_ =	shalt  }
0x6c: {  	_ =	shalt  }
0x6d: {  	_ =	shalt  }
0x6e: {  	_ =	shalt  }
0x6f: {  	_ =	shalt  }
0x70: {  	_ =	shalt  }
0x71: {  	_ =	shalt  }
0x72: {  	_ =	shalt  }
0x73: {  	_ =	shalt  }
0x74: {  	_ =	shalt  }
0x75: {  	_ =	shalt  }
0x76: {  	_ =	shalt  }
0x77: {  	_ =	shalt  }
0x78: {  	_ =	shalt  }
0x79: {  	_ =	shalt  }
0x7a: {  	_ =	shalt  }
0x7b: {  	_ =	shalt  }
0x7c: {  	_ =	shalt  }
0x7d: {  	_ =	shalt  }
0x7e: {  	_ =	shalt  }
0x7f: {  	_ =	shalt  }
0x80: {  	_ =	shalt  }
0x81: {  	_ =	shalt  }
0x82: {  	_ =	shalt  }
0x83: {  	_ =	shalt  }
0x84: {  	_ =	shalt  }
0x85: {  	_ =	shalt  }
0x86: {  	_ =	shalt  }
0x87: {  	_ =	shalt  }
.Lfunc_end0:
.L_simem_size_0:
called_computation_lowered:
.L_overlay_start_0:
0x88: {  	s2 =	sld [smem:$0x3FD9]  }
0x89: {  	s3 =	sld [smem:$0x3FFE];
	_ =	sdelay $0x1  }
0x8a: {  	s1 =	srdreg.scid  }
0x8b: {  	s0 =	sand.u32 $0x1, s1  }
0x8c: {  	s18 =	sshll.u32 s0, $0xA;
	s2 =	sadd.s32 s3, s2  }
0x8d: {  	s2 =	sadd.s32 s2, s18  }
0x8e: {  	[smem:$0x3FC6] =	sst s2  }
0x8f: {  	_ = 	snop  }
0x90: {  	s2 =	sld [smem:$0x3FC9]  }
0x91: {  	s19 =	sld [smem:$0x3FC8]  }
0x92: {  	s4 =	sld [smem:$0x3FD0];
	(tm) =	ssettm $0x1  }
0x93: {  	s5 =	sld [smem:$0x3FFB];
	_ =	sdelay $0x3  }
0x94: {  	_ =	strace s5  }
0x95: {  	s5 =	sld [smem:$0x3FFC];
	_ =	sdelay $0x3  }
0x96: {  	_ =	strace s5  }
0x97: {  	s5 =	sld [smem:$0x3FFD];
	_ =	sdelay $0x3  }
0x98: {  	_ =	strace s5  }
0x99: {  	_ =	strace $0x8FFFFFFF  }
0x9a: {  	s20 =	sld [smem:$0x3FDB];
	_ =	sdelay $0x1  }
0x9b: {  	s6 =	simm.s32 $_scs_section_size  }
0x9c: {  	s7 =	simm.s32 $_size__tile_overlayer_lowered;
	s8 =	simm.s32 $_tile_overlayer_lowered  }
0x9d: {  	s23 =	simm.s32 $0x1BFF;
	s22 =	sshll.u32 s8, $0x1;
	s5 =	sadd.s32 s6, s20  }
0x9e: {  	s9 =	simm.s32 $0x0;
	s21 =	sshll.u32 s7, $0x1;
	s7 =	sadd.s32 s22, s5  }
0x9f: {  	[timem:s9], [sflag:s23] =	dma.local [hbm:s7], s21  }
0xa0: {  	_ =	swait.ge [sflag:s23], s21  }
0xa1: {  	s6 =	ssub.s32 $0x0, s21;
	[sflag:s23] =	ssyncset.done $0x0  }
0xa2: {  	[sflag:s23] =	ssyncadd.s32 s6;
	_ =	sdelay $0x1  }
0xa3: {  	s24 =	simm.s32 $0x1B8B  }
0xa4: {  	_ =	swait.ge [sflag:s24], $0x1  }
0xa5: {  	[sflag:s24] =	ssyncset.done $0x0  }
0xa6: {  	s25 =	simm.s32 $0x1B8E;
	[sflag:s24] =	ssyncadd.s32 $0xFFFFFFFF  }
0xa7: {  	s26 =	simm.s32 $execute0_lowered;
	[smem:$0x3FD2] =	sst s25  }
0xa8: {  	s6 =	sshll.u32 s26, $0x1;
	_ =	strace $0x80000046;
	[dreg:$0x1] =	wrdreg $0xFFFFFFFF  }
0xa9: {  	s28 =	simm.s32 $_size_execute0_lowered;
	s5 =	sadd.s32 s5, s6;
	[dreg:$0x0] =	wrdreg $0x0  }
0xaa: {  	s6 =	sshll.u32 s28, $0x1;
	[dreg:$0x2] =	wrdreg s5  }
0xab: {  	[dreg:$0x3] =	wrdreg s6  }
0xac: {  	[dreg:$0x4] =	wrdreg $0xC0  }
0xad: {  	_ =	task [dreg:s9], $0x5FFFF  }
0xae: {  	[dreg:$0x1] =	wrdreg $0xFFFFFFFF  }
0xaf: {  	[dreg:$0x0] =	wrdreg $0x60  }
0xb0: {  	[dreg:$0x2] =	wrdreg s2  }
0xb1: {  	[dreg:$0x3] =	wrdreg s19  }
0xb2: {  	[dreg:$0x4] =	wrdreg s4  }
0xb3: {  	[dreg:$0x5] =	wrdreg $0x9  }
0xb4: {  	_ =	task.clear_ibuf [dreg:s9], $0x6FFFF;
	_ =	strace $0x90000046  }
0xb5: {  	s29 =	simm.s32 $0x9;
	_ =	strace $0x80000048  }
0xb6: {  	_ =	swait.ge [sflag:s29], $0x1  }
0xb7: {  	[sflag:s29] =	ssyncadd.s32 $0xFFFFFFFF  }
0xb8: {  	_ =	strace $0x90000048  }
0xb9: {  	_ =	sfence  }
0xba: {  	s30 =	sld [smem:$0x0];
	_ =	sdelay $0x2  }
0xbb: {  	s31 =	sshll.u32 s1, $0xD;
	s1 =	sshrl.u32 s1, $0x2  }
0xbc: {  	s3 =	sand.u32 $0x4000, s31;
	s1 =	sadd.s32 s1, s30  }
0xbd: {  	s0 =	sor.u32 s3, s0;
	s1 =	sshll.u32 s1, $0x11  }
0xbe: {  	s0 =	sor.u32 s1, s0  }
0xbf: {  	s0 =	sadd.s32 $0x8F2B, s0  }
0xc0: {  	[sflag:s0] =	ssyncadd.remote.s32 $0x1  }
0xc1: {  	_ =	sfence.sel $0xFFFF  }
0xc2: {  	[dreg:$0x0] =	wrdreg $0xFFFFFFFF;
	(pc) =	sbr.abs _section_cstart, $3  }
0xc3: {  	[dreg:$0x1] =	wrdreg $0xFFFFFFFF  }
0xc4: {  	_ =	task.clear_ibuf [dreg:s9], $0x2FFFF;
	_ =	strace $0x9FFFFFFF  }
0xc5: {  	(tm) =	ssettm $0x7FFFFFFF  }
tec
execute0_lowered:
.L_overlay_start_1:
0x0: {  	(tag) =	ssettag $0x1  }
0x1: {  	s4 =	rddreg [dreg:$0x0]  }
0x2: {  	s1 =	srdreg.scid;
	s2 =	rddreg [dreg:$0x1]  }
0x3: {  	s0 =	stileid.u32;
	s9 =	rddreg [dreg:$0x2]  }
0x4: {  	s14 =	simm.s32 $0x1;
	s15 =	simm.s32 $0xE400;
	s10 =	smul.u32 $0x640000, s0  }
0x5: {  	s16 =	simm.s32 $0x3;
	s5 =	sand.u32 $0x1, s1;
	s28 =	smul.u32 $0xC8000, s0  }
0x6: {  	s17 =	simm.s32 $0x4;
	s26 =	sshll.u32 s0, $0x1;
	s12 =	smul.u32 $0x320000, s5  }
0x7: {  	s18 =	simm.s32 $0x0;
	s3 =	sor.u32 s5, s26;
	s13 =	smul.u32 $0x64000, s5  }
0x8: {  	s1 =	rddreg [dreg:$0x3];
	s8 =	ssub.s32 $0x2, s5;
	s6 =	smul.u32 $0xC80, s3  }
0x9: {  	s7 =	smul.u32 $0x64000, s3;
	s3 =	simm.s32 $0x0;
	s11 =	sshrl.u32 s8, $0x1  }
0xa: {  	s30 =	sadd.s32 s28, s9;
	[smem:$0x7FF] =	sst s3;
	s8 =	ssub.s32 s8, s11  }
0xb: {  	s29 =	sadd.s32 s12, s10;
	s31 =	sadd.s32 s13, s30;
	s11 =	simm.s32 $0x80  }
0xc: {  	s12 =	simm.s32 $0x6400;
	s13 =	simm.s32 $0xA400;
	_ =	strace $0x80000047  }
0xd: {  	s4 =	sadd.s32 s4, s6;
	s5 =	sadd.s32 s9, s7;
	s10 =	sor.u32 $0x10000, s29  }
0xe: {  	s6 =	smax.u32 s8, $0x1;
	s8 =	sadd.s32 $0x3000, s31;
	s10 =	sshrl.u32 s10, $0x3  }
0xf: {  	s7 =	sadd.s32 $0x1000, s5;
	s9 =	sadd.s32 s10, s9;
	s10 =	simm.s32 $0x5  }
.LBB2_1:
0x10: {  	[tilespmem:s3], [sflag:$0x5] =	stream.linear.gather [hbm4b:s4+s3], $0x6400, $0x38;
	[tilespmem:$0x16400] =	vst v63  }
0x11: {  	_ =	swait.ge [sflag:s10], $0x6400  }
0x12: {  	[sflag:s10] =	ssyncset.done $0x0  }
0x13: {  	[sflag:s10] =	ssyncadd.s32 $0xFFFF9C00  }
0x14: {  	[tilespmem:s12], [sflag:$0x1] =	stream.indirect.gather [hbm4b:s2+s11], $0x80, s3, s11, $0xb8;
	[tilespmem:$0x16400] =	vst v63  }
0x15: {  	_ = 	snop  }
0x16: {  	[tilespmem:s13], [sflag:$0x1] =	stream.indirect.gather [hbm4b:s2+s11], $0x80, s11, s11, $0xb8;
	[tilespmem:$0x16400] =	vst v63  }
0x17: {  	_ =	swait.ge [sflag:s14], $0x4000  }
0x18: {  	[sflag:s14] =	ssyncset.done $0x0  }
0x19: {  	[sflag:s14] =	ssyncadd.s32 $0xFFFFC000  }
0x1a: {  	_ =	swait.ge [sflag:s14], $0x4000  }
0x1b: {  	[sflag:s14] =	ssyncset.done $0x0  }
0x1c: {  	[sflag:s14] =	ssyncadd.s32 $0xFFFFC000  }
0x1d: {  	[hbm4b:s5+s3] =	stream.linear.scatter [tilespmem:s12], [sflag:$0x3], $0x8000, $0x38;
	[tilespmem:$0x16400] =	vst v63  }
0x1e: {  	_ = 	snop  }
0x1f: {  	[hbm4b:s7+s3] =	stream.linear.scatter [tilespmem:s15], [sflag:$0x4], $0x8000, $0x38;
	[tilespmem:$0x16400] =	vst v63  }
0x20: {  	_ =	swait.ge [sflag:s16], $0x8000  }
0x21: {  	[sflag:s16] =	ssyncset.done $0x0  }
0x22: {  	s19 =	sadd.s32 $0x0, s9;
	[sflag:s16] =	ssyncadd.s32 $0xFFFF8000  }
0x23: {  	[hbm4b:s19+s3] =	stream.linear.scatter [tilespmem:s12], [sflag:$0x3], $0x8000, $0x38;
	[tilespmem:$0x16400] =	vst v63  }
0x24: {  	_ =	swait.ge [sflag:s17], $0x8000  }
0x25: {  	[sflag:s17] =	ssyncset.done $0x0  }
0x26: {  	s20 =	sadd.s32 $0x0, s8;
	s19 =	simm.s32 $0x2000;
	[sflag:s17] =	ssyncadd.s32 $0xFFFF8000  }
.LBB2_2:
0x27: {  	[hbm4b:s20+s3] =	stream.linear.scatter [tilespmem:s15], [sflag:$0x4], $0x8000, $0x38;
	[tilespmem:$0x16400] =	vst v63  }
0x28: {  	s20 =	smov.u32 s19  }
0x29: {  	p0 =	sne.s32 s19, $0x60000;
	s19 =	sadd.s32 $0x2000, s19;
	_ =	swait.ge [sflag:s16], $0x8000  }
0x2a: {  	[sflag:s16] =	ssyncset.done $0x0  }
.Ltmp0:
0x2b: {  	s21 =	sadd.s32 s20, s9;
	[sflag:s16] =	ssyncadd.s32 $0xFFFF8000;
	(pc) =	sbr.rel @p0 .LBB2_2-.Ltmp0, $4  }
0x2c: {  	[hbm4b:s21+s3] =	stream.linear.scatter [tilespmem:s12], [sflag:$0x3], $0x8000, $0x38;
	[tilespmem:$0x16400] =	vst v63  }
0x2d: {  	_ =	swait.ge [sflag:s17], $0x8000  }
0x2e: {  	[sflag:s17] =	ssyncset.done $0x0  }
0x2f: {  	s20 =	sadd.s32 s20, s8;
	[sflag:s17] =	ssyncadd.s32 $0xFFFF8000  }
0x30: {  	[hbm4b:s20+s3] =	stream.linear.scatter [tilespmem:s15], [sflag:$0x4], $0x8000, $0x38;
	[tilespmem:$0x16400] =	vst v63  }
0x31: {  	s18 =	sadd.s32 $0x1, s18  }
0x32: {  	_ =	swait.ge [sflag:s16], $0x8000;
	p0 =	sne.s32 s18, s6  }
.Ltmp1:
0x33: {  	[sflag:s16] =	ssyncset.done $0x0;
	(pc) =	sbr.rel @p0 .LBB2_1-.Ltmp1, $4  }
0x34: {  	[sflag:s16] =	ssyncadd.s32 $0xFFFF8000  }
0x35: {  	_ =	swait.ge [sflag:s17], $0x8000  }
0x36: {  	[sflag:s17] =	ssyncset.done $0x0  }
0x37: {  	[sflag:s17] =	ssyncadd.s32 $0xFFFF8000  }
0x38: {  	_ =	sfence.sel $0x180000  }
0x39: {  	[bflag:$0x0] =	sbarrier.arrive $0xFFFF  }
0x3a: {  	p0 =	sne.s32 s0, $0x0;
	_ =	strace $0x90000047  }
0x3b: {  	s0 =	sadd.s32 @!p0 $0x100000, s1;
	[bflag:$0x2] =	sbarrier.arrive $0xFFFF  }
0x3c: {  	[sflag:s0] =	ssyncadd.tile.s32 @!p0 $0x1;
	_ =	shalt  }
.Lfunc_end2:
_tile_overlayer_lowered:
.L_overlay_start_2:
0x3d: {  	(tag) =	ssettag $0x2  }
0x3e: {  	s0 =	rddreg [dreg:$0x0];
	s2 =	stileid.u32  }
0x3f: {  	s1 =	rddreg [dreg:$0x1];
	p0 =	sne.s32 s2, $0x0  }
0x40: {  	s3 =	rddreg [dreg:$0x2];
	[bflag:$0x3] =	sbarrier.arrive $0xFFFF;
	s2 =	simm.s32 @!p0 $0x1C05  }
0x41: {  	[timem:s3], [sflag:s2] =	dma.local @!p0 [hbm:s0], s1  }
0x42: {  	s0 =	simm.s32 @!p0 $0x5  }
0x43: {  	_ =	swait.ge @!p0 [sflag:s0], s1  }
0x44: {  	s1 =	ssub.s32 @!p0 $0x0, s1;
	[sflag:s0] =	ssyncset.done @!p0 $0x0  }
0x45: {  	[sflag:s0] =	ssyncadd.s32 @!p0 s1  }
0x46: {  	[bflag:$0x3] =	sbarrier.arrive $0xFFFF  }
0x47: {  	_ =	shalt  }

</sc_bundles>
